<compile_context>
chip_gen: v7x
topology: tpu7x:2x2x1
jax: 0.10.2.dev20260603
libtpu: 0.0.44.dev20260713+nightly
codegen_flags: <defaults>
</compile_context>

<pallas_src>
import functools

import jax
import jax.numpy as jnp
from jax import lax
from jax.experimental import pallas as pl
from jax.experimental.pallas import tpu as pltpu
from jax.experimental.pallas import tpu_sc as plsc

_NC = 2
_NS = 16
_NW = _NC * _NS
_LANES = 16
_CHUNK = 128


@functools.lru_cache(maxsize=None)
def _sc_gather_fn(ntab, n_per_w, vocab):
    n_chunks = n_per_w // _CHUNK
    mesh = plsc.VectorSubcoreMesh(core_axis_name="c", subcore_axis_name="s")

    @functools.partial(
        pl.kernel,
        mesh=mesh,
        out_type=jax.ShapeDtypeStruct((_NW * n_per_w,), jnp.float32),
        scratch_types=[
            pltpu.VMEM((n_per_w,), jnp.int32),
            pltpu.VMEM((n_per_w,), jnp.int32),
            pltpu.VMEM((n_per_w,), jnp.float32),
            pltpu.SemaphoreType.DMA,
        ],
    )
    def sc_gather(table_hbm, tgt_hbm, out_hbm, tgt_v, idx_v, val_v, sem):
        wid = lax.axis_index("s") * _NC + lax.axis_index("c")
        base = wid * n_per_w
        pltpu.sync_copy(tgt_hbm.at[pl.ds(base, n_per_w)], tgt_v)
        lane = lax.iota(jnp.int32, _LANES) * vocab

        def fire(j, carry):
            off = j * _CHUNK
            for k in range(_CHUNK // _LANES):
                o = off + k * _LANES
                t = tgt_v[pl.ds(o, _LANES)]
                idx = t + lane + (base + o) * vocab
                idx_v[pl.ds(o, _LANES)] = jnp.minimum(idx, ntab - 1)
            pltpu.async_copy(
                table_hbm.at[idx_v.at[pl.ds(off, _CHUNK)]],
                val_v.at[pl.ds(off, _CHUNK)],
                sem,
            )
            return carry

        lax.fori_loop(0, n_chunks, fire, 0)

        def drain(j, carry):
            off = j * _CHUNK
            pltpu.make_async_copy(
                table_hbm.at[idx_v.at[pl.ds(off, _CHUNK)]],
                val_v.at[pl.ds(off, _CHUNK)],
                sem,
            ).wait()
            return carry

        lax.fori_loop(0, n_chunks, drain, 0)
        pltpu.sync_copy(val_v, out_hbm.at[pl.ds(base, n_per_w)])

    return sc_gather


@functools.lru_cache(maxsize=None)
def _tc_loss_fn(b, t, rows_per_block):
    n_blocks = b // rows_per_block

    def body(len_ref, g_ref, out_ref, acc):
        i = pl.program_id(0)

        @pl.when(i == 0)
        def _init():
            acc[0] = 0.0
            acc[1] = 0.0

        lens = len_ref[...]
        mask = lax.broadcasted_iota(jnp.int32, (rows_per_block, t), 1) < lens
        acc[0] += jnp.sum(jnp.where(mask, jnp.log(g_ref[...]), 0.0))
        acc[1] += jnp.sum(mask.astype(jnp.float32))

        @pl.when(i == n_blocks - 1)
        def _fin():
            out_ref[...] = jnp.full((1, 1), -acc[0] / acc[1], jnp.float32)

    return pl.pallas_call(
        body,
        grid=(n_blocks,),
        in_specs=[
            pl.BlockSpec((rows_per_block, 1), lambda i: (i, 0)),
            pl.BlockSpec((rows_per_block, t), lambda i: (i, 0)),
        ],
        out_specs=pl.BlockSpec((1, 1), lambda i: (0, 0)),
        out_shape=jax.ShapeDtypeStruct((1, 1), jnp.float32),
        scratch_shapes=[pltpu.SMEM((2,), jnp.float32)],
    )


def kernel(predicted, target, target_len, batches):
    b, t, v = predicted.shape
    n = b * t
    ntab = n * v

    grain = _NW * _CHUNK
    n_pad = ((n + grain - 1) // grain) * grain
    n_per_w = n_pad // _NW

    table = predicted.reshape(-1)
    tgt = target.reshape(-1).astype(jnp.int32)
    if n_pad > n:
        tgt = jnp.concatenate([tgt, jnp.zeros((n_pad - n,), jnp.int32)])

    gathered = _sc_gather_fn(ntab, n_per_w, v)(table, tgt)
    g = gathered[:n].reshape(b, t)

    lens = target_len.reshape(b, 1).astype(jnp.int32)
    per_token = _tc_loss_fn(b, t, 128)(lens, g)[0, 0]
    return per_token * jnp.float32(batches)

# --- scband reference (transcript-rebuilt; emitter-appended) ---
"""Pipeline reference for scband-creterion-69535520522362 (READ-ONLY COPY).

The authoritative reference and input builder live on the scoring server;
editing this copy changes nothing except your own understanding.
"""

import jax, jax.numpy as jnp
import numpy as np

B, T, V = 1024, 1023, 128

def setup_inputs(seed: int = 0) -> dict:
    key = jax.random.key(seed)
    k1, k2 = jax.random.split(key)
    predicted = jax.random.uniform(k1, (B, T, V), dtype=jnp.float32, minval=1e-6, maxval=1.0)
    target = jax.random.randint(k2, (B, T), 0, V)
    target_len = jnp.arange(B)  # max == 1023 == T, matching the torch module's requirement
    batches = B
    return {"predicted": predicted, "target": target, "target_len": target_len, "batches": batches}

def reference(predicted, target, target_len, batches):
    max_len = predicted.shape[1]
    mask = (jnp.arange(max_len)[None, :] < target_len[:, None]).astype(jnp.float32)
    gathered = jnp.take_along_axis(predicted, target[:, :, None], axis=2)  # [B, T, 1]
    loss = jnp.log(gathered.reshape(-1, 1)) * mask.reshape(-1, 1)
    loss = -jnp.sum(loss) * batches / jnp.sum(mask)
    return loss

if __name__ == "__main__":
    import jax
    _d = setup_inputs()
    print(jax.jit(kernel)(*tuple(_d.values())))

</pallas_src>

<mosaic_0001>
#map = affine_map<(d0, d1) -> (0)>
module attributes {stable_mosaic.version = 14 : i64} {
  func.func @sc_gather(%arg0: i32, %arg1: i32, %arg2: memref<134086656xf32, #tpu.memory_space<hbm>>, %arg3: memref<1048576xi32, #tpu.memory_space<hbm>>, %arg4: memref<1048576xf32, #tpu.memory_space<hbm>>, %arg5: memref<32768xi32, #tpu.memory_space<vmem>>, %arg6: memref<32768xi32, #tpu.memory_space<vmem>>, %arg7: memref<32768xf32, #tpu.memory_space<vmem>>, %arg8: memref<!tpu.dma_semaphore, #tpu.memory_space<semaphore_mem>>) attributes {dimension_semantics = [#tpu.dimension_semantics<core_parallel>, #tpu.dimension_semantics<subcore_parallel>], iteration_bounds = array<i64: 2, 16>, scalar_prefetch = 0 : i64, scratch_operands = 4 : i64, tpu.core_type = #tpu.core_type<sc_vector_subcore>, window_params = [{transform_indices = #map}, {transform_indices = #map}, {transform_indices = #map}]} {
    %mul3A = arith.constant 2 : i32
    %mul3A_0 = arith.muli %arg1, %mul3A : i32
    %add3A = arith.addi %mul3A_0, %arg0 : i32
    %mul3A_1 = arith.constant 32768 : i32
    %mul3A_2 = arith.muli %add3A, %mul3A_1 : i32
    "tpu.region"() ({
      %run_scoped3A = tpu.sem_alloc : memref<!tpu.dma_semaphore, #tpu.memory_space<semaphore_mem>>
      %dma_start3A = tpu.memref_slice %arg3[%mul3A_2] : memref<1048576xi32, #tpu.memory_space<hbm>> -> memref<32768xi32, #tpu.memory_space<hbm>>
      %dma_start3A_17 = tpu.memref_slice %arg3[%mul3A_2] : memref<1048576xi32, #tpu.memory_space<hbm>> -> memref<32768xi32, #tpu.memory_space<hbm>>
      tpu.enqueue_dma source(%dma_start3A_17 : memref<32768xi32, #tpu.memory_space<hbm>>) target(%arg5 : memref<32768xi32, #tpu.memory_space<vmem>>) target_semaphore(%run_scoped3A : memref<!tpu.dma_semaphore, #tpu.memory_space<semaphore_mem>>)
      %dma_wait3A = tpu.memref_slice %arg3[%mul3A_2] : memref<1048576xi32, #tpu.memory_space<hbm>> -> memref<32768xi32, #tpu.memory_space<hbm>>
      %dma_wait3A_18 = tpu.memref_slice %arg3[%mul3A_2] : memref<1048576xi32, #tpu.memory_space<hbm>> -> memref<32768xi32, #tpu.memory_space<hbm>>
      tpu.wait_dma2 semaphore(%run_scoped3A : memref<!tpu.dma_semaphore, #tpu.memory_space<semaphore_mem>>) src(%dma_wait3A_18 : memref<32768xi32, #tpu.memory_space<hbm>>) dst(%arg5 : memref<32768xi32, #tpu.memory_space<vmem>>)
      tpu.yield
    }) : () -> ()
    %iota3A = tpu.iota {dimensions = array<i32: 0>} : vector<16xi32>
    %mul3A_3 = arith.constant 128 : i32
    %mul3A_4 = vector.broadcast %mul3A_3 : i32 to vector<16xi32>
    %mul3A_5 = arith.muli %iota3A, %mul3A_4 : vector<16xi32>
    %scan3A = arith.constant 0 : i32
    %scan3A_6 = arith.constant 0 : i32
    %scan3A_7 = arith.constant 256 : i32
    %scan3A_8 = arith.addi %scan3A_6, %scan3A_7 : i32
    %scan3A_9 = arith.constant 1 : i32
    scf.for %scan3A_17 = %scan3A_6 to %scan3A_8 step %scan3A_9  : i32 {
      %mul3A_18 = arith.constant 128 : i32
      %mul3A_19 = arith.muli %scan3A_17, %mul3A_18 : i32
      %add3A_20 = arith.constant 0 : i32
      %add3A_21 = arith.addi %mul3A_19, %add3A_20 : i32
      %get3A = arith.index_cast %add3A_21 : i32 to index
      %get3A_22 = tpu.vector_load %arg5[%get3A] {strides = array<i32>} : memref<32768xi32, #tpu.memory_space<vmem>>, vector<16xi32>,
      %get3A_23 = vector.shape_cast %get3A_22 : vector<16xi32> to vector<16xi32>
      %add3A_24 = arith.addi %get3A_23, %mul3A_5 : vector<16xi32>
      %add3A_25 = arith.addi %mul3A_2, %add3A_21 : i32
      %mul3A_26 = arith.constant 128 : i32
      %mul3A_27 = arith.muli %add3A_25, %mul3A_26 : i32
      %add3A_28 = vector.broadcast %mul3A_27 : i32 to vector<16xi32>
      %add3A_29 = arith.addi %add3A_24, %add3A_28 : vector<16xi32>
      %min3A = arith.constant 134086655 : i32
      %min3A_30 = vector.broadcast %min3A : i32 to vector<16xi32>
      %min3A_31 = arith.minsi %add3A_29, %min3A_30 : vector<16xi32>
      %swap3A = arith.index_cast %add3A_21 : i32 to index
      %swap3A_32 = tpu.vector_load %arg6[%swap3A] {strides = array<i32>} : memref<32768xi32, #tpu.memory_space<vmem>>, vector<16xi32>,
      %swap3A_33 = vector.shape_cast %swap3A_32 : vector<16xi32> to vector<16xi32>
      %swap3A_34 = vector.shape_cast %min3A_31 : vector<16xi32> to vector<16xi32>
      tpu.vector_store %arg6[%swap3A], %swap3A_34 {strides = array<i32>} : memref<32768xi32, #tpu.memory_space<vmem>>, vector<16xi32>,
      %add3A_35 = arith.constant 16 : i32
      %add3A_36 = arith.addi %mul3A_19, %add3A_35 : i32
      %get3A_37 = arith.index_cast %add3A_36 : i32 to index
      %get3A_38 = tpu.vector_load %arg5[%get3A_37] {strides = array<i32>} : memref<32768xi32, #tpu.memory_space<vmem>>, vector<16xi32>,
      %get3A_39 = vector.shape_cast %get3A_38 : vector<16xi32> to vector<16xi32>
      %add3A_40 = arith.addi %get3A_39, %mul3A_5 : vector<16xi32>
      %add3A_41 = arith.addi %mul3A_2, %add3A_36 : i32
      %mul3A_42 = arith.constant 128 : i32
      %mul3A_43 = arith.muli %add3A_41, %mul3A_42 : i32
      %add3A_44 = vector.broadcast %mul3A_43 : i32 to vector<16xi32>
      %add3A_45 = arith.addi %add3A_40, %add3A_44 : vector<16xi32>
      %min3A_46 = arith.constant 134086655 : i32
      %min3A_47 = vector.broadcast %min3A_46 : i32 to vector<16xi32>
      %min3A_48 = arith.minsi %add3A_45, %min3A_47 : vector<16xi32>
      %swap3A_49 = arith.index_cast %add3A_36 : i32 to index
      %swap3A_50 = tpu.vector_load %arg6[%swap3A_49] {strides = array<i32>} : memref<32768xi32, #tpu.memory_space<vmem>>, vector<16xi32>,
      %swap3A_51 = vector.shape_cast %swap3A_50 : vector<16xi32> to vector<16xi32>
      %swap3A_52 = vector.shape_cast %min3A_48 : vector<16xi32> to vector<16xi32>
      tpu.vector_store %arg6[%swap3A_49], %swap3A_52 {strides = array<i32>} : memref<32768xi32, #tpu.memory_space<vmem>>, vector<16xi32>,
      %add3A_53 = arith.constant 32 : i32
      %add3A_54 = arith.addi %mul3A_19, %add3A_53 : i32
      %get3A_55 = arith.index_cast %add3A_54 : i32 to index
      %get3A_56 = tpu.vector_load %arg5[%get3A_55] {strides = array<i32>} : memref<32768xi32, #tpu.memory_space<vmem>>, vector<16xi32>,
      %get3A_57 = vector.shape_cast %get3A_56 : vector<16xi32> to vector<16xi32>
      %add3A_58 = arith.addi %get3A_57, %mul3A_5 : vector<16xi32>
      %add3A_59 = arith.addi %mul3A_2, %add3A_54 : i32
      %mul3A_60 = arith.constant 128 : i32
      %mul3A_61 = arith.muli %add3A_59, %mul3A_60 : i32
      %add3A_62 = vector.broadcast %mul3A_61 : i32 to vector<16xi32>
      %add3A_63 = arith.addi %add3A_58, %add3A_62 : vector<16xi32>
      %min3A_64 = arith.constant 134086655 : i32
      %min3A_65 = vector.broadcast %min3A_64 : i32 to vector<16xi32>
      %min3A_66 = arith.minsi %add3A_63, %min3A_65 : vector<16xi32>
      %swap3A_67 = arith.index_cast %add3A_54 : i32 to index
      %swap3A_68 = tpu.vector_load %arg6[%swap3A_67] {strides = array<i32>} : memref<32768xi32, #tpu.memory_space<vmem>>, vector<16xi32>,
      %swap3A_69 = vector.shape_cast %swap3A_68 : vector<16xi32> to vector<16xi32>
      %swap3A_70 = vector.shape_cast %min3A_66 : vector<16xi32> to vector<16xi32>
      tpu.vector_store %arg6[%swap3A_67], %swap3A_70 {strides = array<i32>} : memref<32768xi32, #tpu.memory_space<vmem>>, vector<16xi32>,
      %add3A_71 = arith.constant 48 : i32
      %add3A_72 = arith.addi %mul3A_19, %add3A_71 : i32
      %get3A_73 = arith.index_cast %add3A_72 : i32 to index
      %get3A_74 = tpu.vector_load %arg5[%get3A_73] {strides = array<i32>} : memref<32768xi32, #tpu.memory_space<vmem>>, vector<16xi32>,
      %get3A_75 = vector.shape_cast %get3A_74 : vector<16xi32> to vector<16xi32>
      %add3A_76 = arith.addi %get3A_75, %mul3A_5 : vector<16xi32>
      %add3A_77 = arith.addi %mul3A_2, %add3A_72 : i32
      %mul3A_78 = arith.constant 128 : i32
      %mul3A_79 = arith.muli %add3A_77, %mul3A_78 : i32
      %add3A_80 = vector.broadcast %mul3A_79 : i32 to vector<16xi32>
      %add3A_81 = arith.addi %add3A_76, %add3A_80 : vector<16xi32>
      %min3A_82 = arith.constant 134086655 : i32
      %min3A_83 = vector.broadcast %min3A_82 : i32 to vector<16xi32>
      %min3A_84 = arith.minsi %add3A_81, %min3A_83 : vector<16xi32>
      %swap3A_85 = arith.index_cast %add3A_72 : i32 to index
      %swap3A_86 = tpu.vector_load %arg6[%swap3A_85] {strides = array<i32>} : memref<32768xi32, #tpu.memory_space<vmem>>, vector<16xi32>,
      %swap3A_87 = vector.shape_cast %swap3A_86 : vector<16xi32> to vector<16xi32>
      %swap3A_88 = vector.shape_cast %min3A_84 : vector<16xi32> to vector<16xi32>
      tpu.vector_store %arg6[%swap3A_85], %swap3A_88 {strides = array<i32>} : memref<32768xi32, #tpu.memory_space<vmem>>, vector<16xi32>,
      %add3A_89 = arith.constant 64 : i32
      %add3A_90 = arith.addi %mul3A_19, %add3A_89 : i32
      %get3A_91 = arith.index_cast %add3A_90 : i32 to index
      %get3A_92 = tpu.vector_load %arg5[%get3A_91] {strides = array<i32>} : memref<32768xi32, #tpu.memory_space<vmem>>, vector<16xi32>,
      %get3A_93 = vector.shape_cast %get3A_92 : vector<16xi32> to vector<16xi32>
      %add3A_94 = arith.addi %get3A_93, %mul3A_5 : vector<16xi32>
      %add3A_95 = arith.addi %mul3A_2, %add3A_90 : i32
      %mul3A_96 = arith.constant 128 : i32
      %mul3A_97 = arith.muli %add3A_95, %mul3A_96 : i32
      %add3A_98 = vector.broadcast %mul3A_97 : i32 to vector<16xi32>
      %add3A_99 = arith.addi %add3A_94, %add3A_98 : vector<16xi32>
      %min3A_100 = arith.constant 134086655 : i32
      %min3A_101 = vector.broadcast %min3A_100 : i32 to vector<16xi32>
      %min3A_102 = arith.minsi %add3A_99, %min3A_101 : vector<16xi32>
      %swap3A_103 = arith.index_cast %add3A_90 : i32 to index
      %swap3A_104 = tpu.vector_load %arg6[%swap3A_103] {strides = array<i32>} : memref<32768xi32, #tpu.memory_space<vmem>>, vector<16xi32>,
      %swap3A_105 = vector.shape_cast %swap3A_104 : vector<16xi32> to vector<16xi32>
      %swap3A_106 = vector.shape_cast %min3A_102 : vector<16xi32> to vector<16xi32>
      tpu.vector_store %arg6[%swap3A_103], %swap3A_106 {strides = array<i32>} : memref<32768xi32, #tpu.memory_space<vmem>>, vector<16xi32>,
      %add3A_107 = arith.constant 80 : i32
      %add3A_108 = arith.addi %mul3A_19, %add3A_107 : i32
      %get3A_109 = arith.index_cast %add3A_108 : i32 to index
      %get3A_110 = tpu.vector_load %arg5[%get3A_109] {strides = array<i32>} : memref<32768xi32, #tpu.memory_space<vmem>>, vector<16xi32>,
      %get3A_111 = vector.shape_cast %get3A_110 : vector<16xi32> to vector<16xi32>
      %add3A_112 = arith.addi %get3A_111, %mul3A_5 : vector<16xi32>
      %add3A_113 = arith.addi %mul3A_2, %add3A_108 : i32
      %mul3A_114 = arith.constant 128 : i32
      %mul3A_115 = arith.muli %add3A_113, %mul3A_114 : i32
      %add3A_116 = vector.broadcast %mul3A_115 : i32 to vector<16xi32>
      %add3A_117 = arith.addi %add3A_112, %add3A_116 : vector<16xi32>
      %min3A_118 = arith.constant 134086655 : i32
      %min3A_119 = vector.broadcast %min3A_118 : i32 to vector<16xi32>
      %min3A_120 = arith.minsi %add3A_117, %min3A_119 : vector<16xi32>
      %swap3A_121 = arith.index_cast %add3A_108 : i32 to index
      %swap3A_122 = tpu.vector_load %arg6[%swap3A_121] {strides = array<i32>} : memref<32768xi32, #tpu.memory_space<vmem>>, vector<16xi32>,
      %swap3A_123 = vector.shape_cast %swap3A_122 : vector<16xi32> to vector<16xi32>
      %swap3A_124 = vector.shape_cast %min3A_120 : vector<16xi32> to vector<16xi32>
      tpu.vector_store %arg6[%swap3A_121], %swap3A_124 {strides = array<i32>} : memref<32768xi32, #tpu.memory_space<vmem>>, vector<16xi32>,
      %add3A_125 = arith.constant 96 : i32
      %add3A_126 = arith.addi %mul3A_19, %add3A_125 : i32
      %get3A_127 = arith.index_cast %add3A_126 : i32 to index
      %get3A_128 = tpu.vector_load %arg5[%get3A_127] {strides = array<i32>} : memref<32768xi32, #tpu.memory_space<vmem>>, vector<16xi32>,
      %get3A_129 = vector.shape_cast %get3A_128 : vector<16xi32> to vector<16xi32>
      %add3A_130 = arith.addi %get3A_129, %mul3A_5 : vector<16xi32>
      %add3A_131 = arith.addi %mul3A_2, %add3A_126 : i32
      %mul3A_132 = arith.constant 128 : i32
      %mul3A_133 = arith.muli %add3A_131, %mul3A_132 : i32
      %add3A_134 = vector.broadcast %mul3A_133 : i32 to vector<16xi32>
      %add3A_135 = arith.addi %add3A_130, %add3A_134 : vector<16xi32>
      %min3A_136 = arith.constant 134086655 : i32
      %min3A_137 = vector.broadcast %min3A_136 : i32 to vector<16xi32>
      %min3A_138 = arith.minsi %add3A_135, %min3A_137 : vector<16xi32>
      %swap3A_139 = arith.index_cast %add3A_126 : i32 to index
      %swap3A_140 = tpu.vector_load %arg6[%swap3A_139] {strides = array<i32>} : memref<32768xi32, #tpu.memory_space<vmem>>, vector<16xi32>,
      %swap3A_141 = vector.shape_cast %swap3A_140 : vector<16xi32> to vector<16xi32>
      %swap3A_142 = vector.shape_cast %min3A_138 : vector<16xi32> to vector<16xi32>
      tpu.vector_store %arg6[%swap3A_139], %swap3A_142 {strides = array<i32>} : memref<32768xi32, #tpu.memory_space<vmem>>, vector<16xi32>,
      %add3A_143 = arith.constant 112 : i32
      %add3A_144 = arith.addi %mul3A_19, %add3A_143 : i32
      %get3A_145 = arith.index_cast %add3A_144 : i32 to index
      %get3A_146 = tpu.vector_load %arg5[%get3A_145] {strides = array<i32>} : memref<32768xi32, #tpu.memory_space<vmem>>, vector<16xi32>,
      %get3A_147 = vector.shape_cast %get3A_146 : vector<16xi32> to vector<16xi32>
      %add3A_148 = arith.addi %get3A_147, %mul3A_5 : vector<16xi32>
      %add3A_149 = arith.addi %mul3A_2, %add3A_144 : i32
      %mul3A_150 = arith.constant 128 : i32
      %mul3A_151 = arith.muli %add3A_149, %mul3A_150 : i32
      %add3A_152 = vector.broadcast %mul3A_151 : i32 to vector<16xi32>
      %add3A_153 = arith.addi %add3A_148, %add3A_152 : vector<16xi32>
      %min3A_154 = arith.constant 134086655 : i32
      %min3A_155 = vector.broadcast %min3A_154 : i32 to vector<16xi32>
      %min3A_156 = arith.minsi %add3A_153, %min3A_155 : vector<16xi32>
      %swap3A_157 = arith.index_cast %add3A_144 : i32 to index
      %swap3A_158 = tpu.vector_load %arg6[%swap3A_157] {strides = array<i32>} : memref<32768xi32, #tpu.memory_space<vmem>>, vector<16xi32>,
      %swap3A_159 = vector.shape_cast %swap3A_158 : vector<16xi32> to vector<16xi32>
      %swap3A_160 = vector.shape_cast %min3A_156 : vector<16xi32> to vector<16xi32>
      tpu.vector_store %arg6[%swap3A_157], %swap3A_160 {strides = array<i32>} : memref<32768xi32, #tpu.memory_space<vmem>>, vector<16xi32>,
      %dma_start3A = tpu.memref_slice %arg7[%mul3A_19] : memref<32768xf32, #tpu.memory_space<vmem>> -> memref<128xf32, #tpu.memory_space<vmem>>
      %dma_start3A_161 = tpu.memref_slice %arg6[%mul3A_19] : memref<32768xi32, #tpu.memory_space<vmem>> -> memref<128xi32, #tpu.memory_space<vmem>>
      %dma_start3A_162 = arith.constant 0 : i32
      %dma_start3A_163 = tpu.memref_slice %arg2[%dma_start3A_162] : memref<134086656xf32, #tpu.memory_space<hbm>> -> memref<134086656xf32, #tpu.memory_space<hbm>>
      tpu.enqueue_indirect_dma source(%dma_start3A_163 : memref<134086656xf32, #tpu.memory_space<hbm>>) target(%dma_start3A : memref<128xf32, #tpu.memory_space<vmem>>) offsets(%dma_start3A_161 : memref<128xi32, #tpu.memory_space<vmem>>) semaphore(%arg8 : memref<!tpu.dma_semaphore, #tpu.memory_space<semaphore_mem>>)
    }
    %scan3A_10 = arith.constant 256 : i32
    %scan3A_11 = arith.constant 0 : i32
    %scan3A_12 = arith.constant 0 : i32
    %scan3A_13 = arith.constant 256 : i32
    %scan3A_14 = arith.addi %scan3A_12, %scan3A_13 : i32
    %scan3A_15 = arith.constant 1 : i32
    scf.for %scan3A_17 = %scan3A_12 to %scan3A_14 step %scan3A_15  : i32 {
      %mul3A_18 = arith.constant 128 : i32
      %mul3A_19 = arith.muli %scan3A_17, %mul3A_18 : i32
      %dma_wait3A = tpu.memref_slice %arg7[%mul3A_19] : memref<32768xf32, #tpu.memory_space<vmem>> -> memref<128xf32, #tpu.memory_space<vmem>>
      %dma_wait3A_20 = tpu.memref_slice %arg6[%mul3A_19] : memref<32768xi32, #tpu.memory_space<vmem>> -> memref<128xi32, #tpu.memory_space<vmem>>
      %dma_wait3A_21 = arith.constant 0 : i32
      %dma_wait3A_22 = tpu.memref_slice %arg2[%dma_wait3A_21] : memref<134086656xf32, #tpu.memory_space<hbm>> -> memref<134086656xf32, #tpu.memory_space<hbm>>
      tpu.wait_indirect_dma semaphore(%arg8 : memref<!tpu.dma_semaphore, #tpu.memory_space<semaphore_mem>>) src(%dma_wait3A_22 : memref<134086656xf32, #tpu.memory_space<hbm>>) dst(%dma_wait3A : memref<128xf32, #tpu.memory_space<vmem>>)
    }
    %scan3A_16 = arith.constant 256 : i32
    "tpu.region"() ({
      %run_scoped3A = tpu.sem_alloc : memref<!tpu.dma_semaphore, #tpu.memory_space<semaphore_mem>>
      %dma_start3A = tpu.memref_slice %arg4[%mul3A_2] : memref<1048576xf32, #tpu.memory_space<hbm>> -> memref<32768xf32, #tpu.memory_space<hbm>>
      %dma_start3A_17 = tpu.memref_slice %arg4[%mul3A_2] : memref<1048576xf32, #tpu.memory_space<hbm>> -> memref<32768xf32, #tpu.memory_space<hbm>>
      tpu.enqueue_dma source(%arg7 : memref<32768xf32, #tpu.memory_space<vmem>>) target(%dma_start3A_17 : memref<32768xf32, #tpu.memory_space<hbm>>) target_semaphore(%run_scoped3A : memref<!tpu.dma_semaphore, #tpu.memory_space<semaphore_mem>>)
      %dma_wait3A = tpu.memref_slice %arg4[%mul3A_2] : memref<1048576xf32, #tpu.memory_space<hbm>> -> memref<32768xf32, #tpu.memory_space<hbm>>
      %dma_wait3A_18 = tpu.memref_slice %arg4[%mul3A_2] : memref<1048576xf32, #tpu.memory_space<hbm>> -> memref<32768xf32, #tpu.memory_space<hbm>>
      tpu.wait_dma2 semaphore(%run_scoped3A : memref<!tpu.dma_semaphore, #tpu.memory_space<semaphore_mem>>) src(%arg7 : memref<32768xf32, #tpu.memory_space<vmem>>) dst(%dma_wait3A_18 : memref<32768xf32, #tpu.memory_space<hbm>>)
      tpu.yield
    }) : () -> ()
    return
  }
}

module attributes {stable_mosaic.version = 14 : i64} {
  func.func @body(%arg0: i32, %arg1: memref<128x1xi32, #tpu.memory_space<vmem>>, %arg2: memref<128x1023xf32, #tpu.memory_space<vmem>>, %arg3: memref<1x1xf32, #tpu.memory_space<vmem>>, %arg4: memref<2xf32, #tpu.memory_space<smem>>) attributes {dimension_semantics = [#tpu.dimension_semantics<arbitrary>], iteration_bounds = array<i64: 8>, scalar_prefetch = 0 : i64, scratch_operands = 1 : i64, tpu.core_type = #tpu.core_type<tc>, window_params = [{transform_indices = @transform_0, window_bounds = array<i64: 128, 1>}, {transform_indices = @transform_1, window_bounds = array<i64: 128, 1023>}, {pipeline_mode = #tpu.pipeline_mode<synchronous>, transform_indices = @transform_2, window_bounds = array<i64: 1, 1>}]} {
    %eq3A = arith.constant 0 : i32
    %eq3A_0 = arith.cmpi eq, %arg0, %eq3A : i32
    %convert_element_type3A = arith.extui %eq3A_0 : i1 to i32
    %cond3A = arith.constant 0 : i32
    %cond3A_1 = arith.cmpi ne, %convert_element_type3A, %cond3A : i32
    scf.if %cond3A_1 {
      %swap3A_32 = arith.constant 0.000000e+00 : f32
      %swap3A_33 = arith.constant 0 : index
      %swap3A_34 = memref.load %arg4[%swap3A_33] : memref<2xf32, #tpu.memory_space<smem>>
      memref.store %swap3A_32, %arg4[%swap3A_33] : memref<2xf32, #tpu.memory_space<smem>>
      %swap3A_35 = arith.constant 0.000000e+00 : f32
      %swap3A_36 = arith.constant 1 : index
      %swap3A_37 = memref.load %arg4[%swap3A_36] : memref<2xf32, #tpu.memory_space<smem>>
      memref.store %swap3A_35, %arg4[%swap3A_36] : memref<2xf32, #tpu.memory_space<smem>>
    } else {
    }
    %get3A = arith.constant 0 : index
    %get3A_2 = arith.constant 0 : index
    %get3A_3 = vector.load %arg1[%get3A, %get3A_2] : memref<128x1xi32, #tpu.memory_space<vmem>>, vector<128x1xi32>
    %iota3A = tpu.iota {dimensions = array<i32: 1>} : vector<128x1023xi32>
    %lt3A = vector.broadcast %get3A_3 : vector<128x1xi32> to vector<128x1023xi32>
    %lt3A_4 = arith.cmpi slt, %iota3A, %lt3A : vector<128x1023xi32>
    %get3A_5 = arith.constant 0 : index
    %get3A_6 = memref.load %arg4[%get3A_5] : memref<2xf32, #tpu.memory_space<smem>>
    %get3A_7 = arith.constant 0 : index
    %get3A_8 = arith.constant 0 : index
    %get3A_9 = vector.load %arg2[%get3A_7, %get3A_8] : memref<128x1023xf32, #tpu.memory_space<vmem>>, vector<128x1023xf32>
    %log3A = math.log %get3A_9 : vector<128x1023xf32>
    %jit3A = arith.constant 0.000000e+00 : f32
    %broadcast_in_dim3A = vector.broadcast %jit3A : f32 to vector<128x1023xf32>
    %select_n3A = arith.select %lt3A_4, %log3A, %broadcast_in_dim3A : vector<128x1023xi1>, vector<128x1023xf32>
    %reduce_sum3A = vector.shape_cast %select_n3A : vector<128x1023xf32> to vector<1x128x1023xf32>
    %reduce_sum3A_10 = arith.constant dense<0.000000e+00> : vector<1xf32>
    %reduce_sum3A_11 = vector.multi_reduction <add>, %reduce_sum3A, %reduce_sum3A_10 [1, 2] : vector<1x128x1023xf32> to vector<1xf32>
    %reduce_sum3A_12 = vector.shape_cast %reduce_sum3A_11 : vector<1xf32> to vector<1x1x1xf32>
    %reduce_sum3A_13 = vector.extract %reduce_sum3A_12[0, 0, 0] : f32 from vector<1x1x1xf32>
    %add3A = arith.addf %get3A_6, %reduce_sum3A_13 : f32
    %swap3A = arith.constant 0 : index
    %swap3A_14 = memref.load %arg4[%swap3A] : memref<2xf32, #tpu.memory_space<smem>>
    memref.store %add3A, %arg4[%swap3A] : memref<2xf32, #tpu.memory_space<smem>>
    %get3A_15 = arith.constant 1 : index
    %get3A_16 = memref.load %arg4[%get3A_15] : memref<2xf32, #tpu.memory_space<smem>>
    %convert_element_type3A_17 = arith.extui %lt3A_4 : vector<128x1023xi1> to vector<128x1023xi32>
    %convert_element_type3A_18 = arith.sitofp %convert_element_type3A_17 : vector<128x1023xi32> to vector<128x1023xf32>
    %reduce_sum3A_19 = vector.shape_cast %convert_element_type3A_18 : vector<128x1023xf32> to vector<1x128x1023xf32>
    %reduce_sum3A_20 = arith.constant dense<0.000000e+00> : vector<1xf32>
    %reduce_sum3A_21 = vector.multi_reduction <add>, %reduce_sum3A_19, %reduce_sum3A_20 [1, 2] : vector<1x128x1023xf32> to vector<1xf32>
    %reduce_sum3A_22 = vector.shape_cast %reduce_sum3A_21 : vector<1xf32> to vector<1x1x1xf32>
    %reduce_sum3A_23 = vector.extract %reduce_sum3A_22[0, 0, 0] : f32 from vector<1x1x1xf32>
    %add3A_24 = arith.addf %get3A_16, %reduce_sum3A_23 : f32
    %swap3A_25 = arith.constant 1 : index
    %swap3A_26 = memref.load %arg4[%swap3A_25] : memref<2xf32, #tpu.memory_space<smem>>
    memref.store %add3A_24, %arg4[%swap3A_25] : memref<2xf32, #tpu.memory_space<smem>>
    %eq3A_27 = arith.constant 7 : i32
    %eq3A_28 = arith.cmpi eq, %arg0, %eq3A_27 : i32
    %convert_element_type3A_29 = arith.extui %eq3A_28 : i1 to i32
    %cond3A_30 = arith.constant 0 : i32
    %cond3A_31 = arith.cmpi ne, %convert_element_type3A_29, %cond3A_30 : i32
    scf.if %cond3A_31 {
      %get3A_32 = arith.constant 0 : index
      %get3A_33 = memref.load %arg4[%get3A_32] : memref<2xf32, #tpu.memory_space<smem>>
      %neg3A = arith.constant 0.000000e+00 : f32
      %neg3A_34 = arith.subf %neg3A, %get3A_33 : f32
      %get3A_35 = arith.constant 1 : index
      %get3A_36 = memref.load %arg4[%get3A_35] : memref<2xf32, #tpu.memory_space<smem>>
      %div3A = arith.divf %neg3A_34, %get3A_36 : f32
      %broadcast_in_dim3A_37 = vector.broadcast %div3A : f32 to vector<1x1xf32>
      %swap3A_38 = arith.constant 0 : index
      %swap3A_39 = arith.constant 0 : index
      %swap3A_40 = vector.load %arg3[%swap3A_38, %swap3A_39] : memref<1x1xf32, #tpu.memory_space<vmem>>, vector<1x1xf32>
      tpu.vector_store %arg3[%swap3A_38, %swap3A_39], %broadcast_in_dim3A_37 {strides = array<i32>} : memref<1x1xf32, #tpu.memory_space<vmem>>, vector<1x1xf32>,
    } else {
    }
    return
  }
  func.func @transform_0(%arg0: i32) -> (i32, i32) {
    %c0_i32 = arith.constant 0 : i32
    %c0_i32_0 = arith.constant 0 : i32
    return %arg0, %c0_i32 : i32, i32
  }
  func.func @transform_1(%arg0: i32) -> (i32, i32) {
    %c0_i32 = arith.constant 0 : i32
    %c0_i32_0 = arith.constant 0 : i32
    return %arg0, %c0_i32 : i32, i32
  }
  func.func @transform_2(%arg0: i32) -> (i32, i32) {
    %c0_i32 = arith.constant 0 : i32
    %c0_i32_0 = arith.constant 0 : i32
    %c0_i32_1 = arith.constant 0 : i32
    return %c0_i32, %c0_i32_0 : i32, i32
  }
}

</mosaic_0001>

<sc_bundles>
// kernel: kernel.4.cloned.1.call-start
scs
__scs_entry_jumppad:
0x0: {  	(pc) =	sbr.rel $0x88, $3  }
0x1: {  	(tag) =	ssettag $0x0;
	lr =	simm.s32 $0x1  }
0x2: {  	[smem:$0x3F9D] =	sst lr;
	_ =	strace $0xD0000000  }
0x3: {  	_ = 	snop  }
0x4: {  	_ = 	snop  }
0x5: {  	_ = 	snop  }
0x6: {  	_ = 	snop  }
0x7: {  	_ = 	snop  }
__scs_overlays_trampoline_lowered:
0x8: {  	[smem:$0x3FAC] =	sst s0  }
0x9: {  	[smem:$0x3FAD] =	sst s1  }
0xa: {  	[smem:$0x3FAE] =	sst s2  }
0xb: {  	[smem:$0x3FAF] =	sst s3  }
0xc: {  	[smem:$0x3FB0] =	sst s4  }
0xd: {  	[smem:$0x3FB1] =	sst s5  }
0xe: {  	[smem:$0x3FB2] =	sst s6  }
0xf: {  	[smem:$0x3FB3] =	sst s7  }
0x10: {  	[smem:$0x3FB4] =	sst s8  }
0x11: {  	[smem:$0x3FB5] =	sst s9;
	s0 =	simm.s32 @!p0 $0x0  }
0x12: {  	s1 =	sld [smem:$0x3F9B];
	s0 =	simm.s32 @p0 $0x1  }
0x13: {  	[smem:$0x3FB6] =	sst s0;
	s0 =	simm.s32 @!p1 $0x0  }
0x14: {  	s2 =	sld [smem:$0x3F9A];
	s0 =	simm.s32 @p1 $0x1  }
0x15: {  	[smem:$0x3FB7] =	sst s0;
	s0 =	simm.s32 @!p2 $0x0  }
0x16: {  	s3 =	sld [smem:$0x3FDB];
	s0 =	simm.s32 @p2 $0x1  }
0x17: {  	s4 =	simm.s32 $0x1BF5;
	[smem:$0x3FB9] =	sst s0  }
0x18: {  	s0 =	sld [smem:$0x3F9C];
	_ =	swait.ge [sflag:s4], $0x0  }
0x19: {  	s7 =	sld [smem:$0x3F9D]  }
0x1a: {  	s8 =	sadd.s32 $0xFFFFE003, lr  }
0x1b: {  	s9 =	sadd.s32 $0xFFFFFEF7, lr;
	s5 =	simm.s32 $0xFFFFFFFF;
	p2 =	slt.u32 s8, $0xFFFFF086  }
0x1c: {  	p1 =	slt.u32 s9, $0xF7A;
	s5 =	simm.s32 @!p2 $0x0  }
0x1d: {  	s5 =	simm.s32 @p1 $0x1;
	p0 =	seq.s32 s7, s2  }
0x1e: {  	s7 =	smul.u32 @!p0 $0xF7A, s2;
	p2 =	seq.s32 @!p0 s5, $0x0  }
0x1f: {  	s9 =	smul.u32 $0xF7A, s1;
	s8 =	simm.s32 @!p0 $0x1BF5;
	p2 =	por !p2, p0  }
0x20: {  	[sflag:s8] =	ssyncset.s32 @!p0 $0xFFFFF086;
	s6 =	sadd.s32 @!p0 s3, s7;
	s7 =	simm.s32 @!p0 $0x108  }
0x21: {  	s3 =	sadd.s32 s3, s9;
	s6 =	sadd.s32 @!p0 $0x88, s6;
	s7 =	simm.s32 @p2 $0x1082  }
0x22: {  	[simem:s7], [sflag:s8] =	dma.local @!p0 [hbm:s6], $0xF7A  }
0x23: {  	s9 =	sor.u32 $0xD0000000, s2;
	s6 =	simm.s32 $0x108;
	_ =	swait.ge @!p0 [sflag:s8], $0x0  }
0x24: {  	s3 =	sadd.s32 $0x88, s3;
	s6 =	simm.s32 @!p1 $0x1082;
	[sflag:s4] =	ssyncset.s32 $0xFFFFF086  }
0x25: {  	[simem:s6], [sflag:s4] =	dma.local [hbm:s3], $0xF7A  }
0x26: {  	[smem:$0x3F9D] =	sst s1;
	(tag) =	ssettag s2;
	_ =	strace s9  }
0x27: {  	s1 =	sld [smem:$0x3FAD]  }
0x28: {  	s2 =	sld [smem:$0x3FAE]  }
0x29: {  	s4 =	sld [smem:$0x3FB0]  }
0x2a: {  	p0 =	seq.s32 s5, $0x0;
	s5 =	sld [smem:$0x3FB1]  }
0x2b: {  	s6 =	sld [smem:$0x3FB2]  }
0x2c: {  	s7 =	sld [smem:$0x3FB3]  }
0x2d: {  	s3 =	simm.s32 $0x108;
	s8 =	sld [smem:$0x3FB4]  }
0x2e: {  	s3 =	simm.s32 @!p0 $0x1082;
	s9 =	sld [smem:$0x3FB5]  }
0x2f: {  	lr =	sadd.s32 s0, s3;
	s0 =	sld [smem:$0x3FAC]  }
0x30: {  	s3 =	sld [smem:$0x3FAF]  }
0x31: {  	[smem:$0x3FB8] =	sst s10  }
0x32: {  	s10 =	sld [smem:$0x3FB6];
	_ =	sdelay $0x3  }
0x33: {  	p0 =	seq.s32 s10, $0x1;
	s10 =	sld [smem:$0x3FB8];
	_ =	sdelay $0x3  }
0x34: {  	[smem:$0x3FB8] =	sst s10  }
0x35: {  	s10 =	sld [smem:$0x3FB7];
	_ =	sdelay $0x3  }
0x36: {  	p1 =	seq.s32 s10, $0x1;
	s10 =	sld [smem:$0x3FB8];
	_ =	sdelay $0x3  }
0x37: {  	[smem:$0x3FB8] =	sst s10  }
0x38: {  	s10 =	sld [smem:$0x3FB9]  }
0x39: {  	_ = 	snop;
	(pc) =	sbr.ind lr, $3  }
0x3a: {  	_ = 	snop  }
0x3b: {  	_ = 	snop  }
0x3c: {  	p2 =	seq.s32 s10, $0x1;
	s10 =	sld [smem:$0x3FB8]  }
0x3d: {  	_ =	shalt  }
0x3e: {  	_ =	shalt  }
0x3f: {  	_ =	shalt  }
0x40: {  	_ =	shalt  }
0x41: {  	_ =	shalt  }
0x42: {  	_ =	shalt  }
0x43: {  	_ =	shalt  }
0x44: {  	_ =	shalt  }
0x45: {  	_ =	shalt  }
0x46: {  	_ =	shalt  }
0x47: {  	_ =	shalt  }
0x48: {  	_ =	shalt  }
0x49: {  	_ =	shalt  }
0x4a: {  	_ =	shalt  }
0x4b: {  	_ =	shalt  }
0x4c: {  	_ =	shalt  }
0x4d: {  	_ =	shalt  }
0x4e: {  	_ =	shalt  }
0x4f: {  	_ =	shalt  }
0x50: {  	_ =	shalt  }
0x51: {  	_ =	shalt  }
0x52: {  	_ =	shalt  }
0x53: {  	_ =	shalt  }
0x54: {  	_ =	shalt  }
0x55: {  	_ =	shalt  }
0x56: {  	_ =	shalt  }
0x57: {  	_ =	shalt  }
0x58: {  	_ =	shalt  }
0x59: {  	_ =	shalt  }
0x5a: {  	_ =	shalt  }
0x5b: {  	_ =	shalt  }
0x5c: {  	_ =	shalt  }
0x5d: {  	_ =	shalt  }
0x5e: {  	_ =	shalt  }
0x5f: {  	_ =	shalt  }
0x60: {  	_ =	shalt  }
0x61: {  	_ =	shalt  }
0x62: {  	_ =	shalt  }
0x63: {  	_ =	shalt  }
0x64: {  	_ =	shalt  }
0x65: {  	_ =	shalt  }
0x66: {  	_ =	shalt  }
0x67: {  	_ =	shalt  }
0x68: {  	_ =	shalt  }
0x69: {  	_ =	shalt  }
0x6a: {  	_ =	shalt  }
0x6b: {  	_ =	shalt  }
0x6c: {  	_ =	shalt  }
0x6d: {  	_ =	shalt  }
0x6e: {  	_ =	shalt  }
0x6f: {  	_ =	shalt  }
0x70: {  	_ =	shalt  }
0x71: {  	_ =	shalt  }
0x72: {  	_ =	shalt  }
0x73: {  	_ =	shalt  }
0x74: {  	_ =	shalt  }
0x75: {  	_ =	shalt  }
0x76: {  	_ =	shalt  }
0x77: {  	_ =	shalt  }
0x78: {  	_ =	shalt  }
0x79: {  	_ =	shalt  }
0x7a: {  	_ =	shalt  }
0x7b: {  	_ =	shalt  }
0x7c: {  	_ =	shalt  }
0x7d: {  	_ =	shalt  }
0x7e: {  	_ =	shalt  }
0x7f: {  	_ =	shalt  }
0x80: {  	_ =	shalt  }
0x81: {  	_ =	shalt  }
0x82: {  	_ =	shalt  }
0x83: {  	_ =	shalt  }
0x84: {  	_ =	shalt  }
0x85: {  	_ =	shalt  }
0x86: {  	_ =	shalt  }
0x87: {  	_ =	shalt  }
.Lfunc_end0:
.L_simem_size_0:
called_computation_lowered:
.L_overlay_start_0:
0x88: {  	s2 =	sld [smem:$0x3FD9]  }
0x89: {  	s3 =	sld [smem:$0x3FFE];
	_ =	sdelay $0x1  }
0x8a: {  	s1 =	srdreg.scid  }
0x8b: {  	s0 =	sand.u32 $0x1, s1  }
0x8c: {  	s16 =	sshll.u32 s0, $0xA;
	s2 =	sadd.s32 s3, s2  }
0x8d: {  	s2 =	sadd.s32 s2, s16  }
0x8e: {  	[smem:$0x3FC4] =	sst s2  }
0x8f: {  	_ = 	snop  }
0x90: {  	(tm) =	ssettm $0x1  }
0x91: {  	s17 =	sld [smem:$0x3FFB];
	_ =	sdelay $0x3  }
0x92: {  	_ =	strace s17  }
0x93: {  	s2 =	sld [smem:$0x3FFC];
	_ =	sdelay $0x3  }
0x94: {  	_ =	strace s2  }
0x95: {  	s2 =	sld [smem:$0x3FFD];
	_ =	sdelay $0x3  }
0x96: {  	_ =	strace s2  }
0x97: {  	_ =	strace $0x8FFFFFFF  }
0x98: {  	s18 =	sld [smem:$0x3FDB];
	_ =	sdelay $0x1  }
0x99: {  	s19 =	simm.s32 $_scs_section_size  }
0x9a: {  	s4 =	simm.s32 $_size__tile_overlayer_lowered;
	s5 =	simm.s32 $_tile_overlayer_lowered  }
0x9b: {  	s22 =	simm.s32 $0x1BFF;
	s21 =	sshll.u32 s5, $0x1;
	s2 =	sadd.s32 s19, s18  }
0x9c: {  	s6 =	simm.s32 $0x0;
	s20 =	sshll.u32 s4, $0x1;
	s4 =	sadd.s32 s21, s2  }
0x9d: {  	[timem:s6], [sflag:s22] =	dma.local [hbm:s4], s20  }
0x9e: {  	_ =	swait.ge [sflag:s22], s20  }
0x9f: {  	s3 =	ssub.s32 $0x0, s20;
	[sflag:s22] =	ssyncset.done $0x0  }
0xa0: {  	[sflag:s22] =	ssyncadd.s32 s3;
	_ =	sdelay $0x1  }
0xa1: {  	s23 =	simm.s32 $0x1B8B  }
0xa2: {  	_ =	swait.ge [sflag:s23], $0x1  }
0xa3: {  	[sflag:s23] =	ssyncset.done $0x0  }
0xa4: {  	s25 =	simm.s32 $0x1B8E;
	s24 =	sld [smem:$0x3FFE];
	[sflag:s23] =	ssyncadd.s32 $0xFFFFFFFF  }
0xa5: {  	s26 =	simm.s32 $execute0_lowered;
	[smem:$0x3FD2] =	sst s25  }
0xa6: {  	s4 =	sshll.u32 s26, $0x1;
	_ =	strace $0x80000046;
	[dreg:$0x1] =	wrdreg $0xFFFFFFFF  }
0xa7: {  	s28 =	simm.s32 $_size_execute0_lowered;
	s2 =	sadd.s32 s2, s4;
	[dreg:$0x0] =	wrdreg $0x0  }
0xa8: {  	s4 =	sshll.u32 s28, $0x1;
	[dreg:$0x2] =	wrdreg s2  }
0xa9: {  	[dreg:$0x3] =	wrdreg s4  }
0xaa: {  	[dreg:$0x4] =	wrdreg $0xC0  }
0xab: {  	_ =	task [dreg:s6], $0x5FFFF  }
0xac: {  	[dreg:$0x1] =	wrdreg $0xFFFFFFFF  }
0xad: {  	[dreg:$0x0] =	wrdreg $0x60  }
0xae: {  	[dreg:$0x2] =	wrdreg s24  }
0xaf: {  	[dreg:$0x3] =	wrdreg $0x9  }
0xb0: {  	_ =	task.clear_ibuf [dreg:s6], $0x4FFFF;
	_ =	strace $0x90000046  }
0xb1: {  	s29 =	simm.s32 $0x9;
	_ =	strace $0x80000048  }
0xb2: {  	_ =	swait.ge [sflag:s29], $0x1  }
0xb3: {  	[sflag:s29] =	ssyncadd.s32 $0xFFFFFFFF  }
0xb4: {  	_ =	strace $0x90000048  }
0xb5: {  	_ =	sfence  }
0xb6: {  	s30 =	sld [smem:$0x0];
	_ =	sdelay $0x2  }
0xb7: {  	s31 =	sshll.u32 s1, $0xD;
	s1 =	sshrl.u32 s1, $0x2  }
0xb8: {  	s3 =	sand.u32 $0x4000, s31;
	s1 =	sadd.s32 s1, s30  }
0xb9: {  	s0 =	sor.u32 s3, s0;
	s1 =	sshll.u32 s1, $0x11  }
0xba: {  	s0 =	sor.u32 s1, s0  }
0xbb: {  	s0 =	sadd.s32 $0x8F2B, s0  }
0xbc: {  	[sflag:s0] =	ssyncadd.remote.s32 $0x1  }
0xbd: {  	_ =	sfence.sel $0xFFFF  }
0xbe: {  	[dreg:$0x0] =	wrdreg $0xFFFFFFFF;
	(pc) =	sbr.abs _section_cstart, $3  }
0xbf: {  	[dreg:$0x1] =	wrdreg $0xFFFFFFFF  }
0xc0: {  	_ =	task.clear_ibuf [dreg:s6], $0x2FFFF;
	_ =	strace $0x9FFFFFFF  }
0xc1: {  	(tm) =	ssettm $0x7FFFFFFF  }
tec
execute0_lowered:
.L_overlay_start_1:
0x0: {  	(tag) =	ssettag $0x1  }
0x1: {  	s4 =	rddreg [dreg:$0x0];
	s2 =	srdreg.scid  }
0x2: {  	s0 =	rddreg [dreg:$0x1];
	s1 =	stileid.u32  }
0x3: {  	s9 =	simm.s32 $0x80;
	s10 =	simm.s32 $0x1;
	s11 =	simm.s32 $0x10000  }
0x4: {  	s12 =	simm.s32 $0x0;
	s7 =	sand.u32 $0x1, s2;
	s2 =	simm.s32 $0x0  }
0x5: {  	s3 =	sshll.u32 s1, $0x10;
	s8 =	sshll.u32 s1, $0x17;
	s5 =	sshll.u32 s7, $0xF  }
0x6: {  	[smem:$0x7FF] =	sst s2;
	s6 =	ssub.s32 $0x2, s7;
	s7 =	sshll.u32 s7, $0x16  }
0x7: {  	s3 =	sor.u32 s5, s3;
	_ =	strace $0x80000047;
	s31 =	sshrl.u32 s6, $0x1  }
0x8: {  	s7 =	sor.u32 s7, s8;
	s8 =	simm.s32 $0x2;
	s5 =	sshrl.u32 s3, $0x3  }
0x9: {  	v0 =	vlaneseq.u32;
	s3 =	sadd.s32 $0x1000C00, s4;
	s6 =	ssub.s32 s6, s31;
	s5 =	sadd.s32 s5, s4  }
0xa: {  	v0 =	vmul.u32 $0x80, v0;
	s6 =	smax.u32 s6, $0x1;
	s4 =	sadd.s32 $0xC00, s5;
	s5 =	sadd.s32 $0x20C00, s5  }
.LBB2_1:
0xb: {  	[tilespmem:s2], [sflag:$0x2] =	stream.linear.gather [hbm4b:s4+s2], $0x8000, $0x38;
	[tilespmem:$0x18000] =	vst v63  }
0xc: {  	_ =	swait.ge [sflag:s8], $0x8000  }
0xd: {  	[sflag:s8] =	ssyncset.done $0x0  }
0xe: {  	s14 =	simm.s32 $0x40;
	[sflag:s8] =	ssyncadd.s32 $0xFFFF8000  }
0xf: {  	v1 =	vld [tilespmem:s14+$0xFFFFFFC0];
	_ =	sdelay $0x3  }
0x10: {  	s15 =	sadd.s32 $0x0, s7  }
0x11: {  	v1 =	vadd.s32 s15, v1  }
0x12: {  	v1 =	vadd.s32 v0, v1  }
0x13: {  	vm0 =	vlt.s32 v1, $0x7FDFFFF  }
0x14: {  	s13 =	simm.s32 $0x8000;
	v1 =	vnsel vm0, $0x7FDFFFF, v1  }
0x15: {  	[tilespmem:s13+$0x0] =	vst v1  }
0x16: {  	v1 =	vld [tilespmem:s14+$0xFFFFFFD0];
	_ =	sdelay $0x3  }
0x17: {  	s16 =	sadd.s32 $0x800, s15  }
0x18: {  	v1 =	vadd.s32 s16, v1  }
0x19: {  	v1 =	vadd.s32 v0, v1  }
0x1a: {  	vm9 =	vlt.s32 v1, $0x7FDFFFF  }
0x1b: {  	v1 =	vnsel vm9, $0x7FDFFFF, v1  }
0x1c: {  	[tilespmem:s13+$0x10] =	vst v1  }
0x1d: {  	v1 =	vld [tilespmem:s14+$0xFFFFFFE0];
	_ =	sdelay $0x3  }
0x1e: {  	s25 =	sadd.s32 $0x1000, s15  }
0x1f: {  	v1 =	vadd.s32 s25, v1  }
0x20: {  	v1 =	vadd.s32 v0, v1  }
0x21: {  	vm10 =	vlt.s32 v1, $0x7FDFFFF  }
0x22: {  	v1 =	vnsel vm10, $0x7FDFFFF, v1  }
0x23: {  	[tilespmem:s13+$0x20] =	vst v1  }
0x24: {  	v1 =	vld [tilespmem:s14+$0xFFFFFFF0];
	_ =	sdelay $0x3  }
0x25: {  	s26 =	sadd.s32 $0x1800, s15  }
0x26: {  	v1 =	vadd.s32 s26, v1  }
0x27: {  	v1 =	vadd.s32 v0, v1  }
0x28: {  	vm11 =	vlt.s32 v1, $0x7FDFFFF  }
0x29: {  	v1 =	vnsel vm11, $0x7FDFFFF, v1  }
0x2a: {  	[tilespmem:s13+$0x30] =	vst v1  }
0x2b: {  	v1 =	vld [tilespmem:s14+$0x0];
	_ =	sdelay $0x3  }
0x2c: {  	s28 =	sadd.s32 $0x2000, s15  }
0x2d: {  	v1 =	vadd.s32 s28, v1  }
0x2e: {  	v1 =	vadd.s32 v0, v1  }
0x2f: {  	vm12 =	vlt.s32 v1, $0x7FDFFFF  }
0x30: {  	v1 =	vnsel vm12, $0x7FDFFFF, v1  }
0x31: {  	[tilespmem:s13+$0x40] =	vst v1  }
0x32: {  	v1 =	vld [tilespmem:s14+$0x10];
	_ =	sdelay $0x3  }
0x33: {  	s29 =	sadd.s32 $0x2800, s15  }
0x34: {  	v1 =	vadd.s32 s29, v1  }
0x35: {  	v1 =	vadd.s32 v0, v1  }
0x36: {  	vm13 =	vlt.s32 v1, $0x7FDFFFF  }
0x37: {  	v1 =	vnsel vm13, $0x7FDFFFF, v1  }
0x38: {  	[tilespmem:s13+$0x50] =	vst v1  }
0x39: {  	v1 =	vld [tilespmem:s14+$0x20];
	_ =	sdelay $0x3  }
0x3a: {  	s30 =	sadd.s32 $0x3000, s15  }
0x3b: {  	v1 =	vadd.s32 s30, v1  }
0x3c: {  	v1 =	vadd.s32 v0, v1  }
0x3d: {  	vm14 =	vlt.s32 v1, $0x7FDFFFF  }
0x3e: {  	v1 =	vnsel vm14, $0x7FDFFFF, v1  }
0x3f: {  	[tilespmem:s13+$0x60] =	vst v1  }
0x40: {  	v1 =	vld [tilespmem:s14+$0x30];
	_ =	sdelay $0x3  }
0x41: {  	s31 =	sadd.s32 $0x3800, s15  }
0x42: {  	v1 =	vadd.s32 s31, v1  }
0x43: {  	v1 =	vadd.s32 v0, v1  }
0x44: {  	vm15 =	vlt.s32 v1, $0x7FDFFFF  }
0x45: {  	s17 =	simm.s32 $0xC0;
	s18 =	simm.s32 $0x10000;
	v1 =	vnsel vm15, $0x7FDFFFF, v1  }
0x46: {  	s15 =	simm.s32 $0x10080;
	s16 =	simm.s32 $0x8080;
	s14 =	simm.s32 $0x4000;
	[tilespmem:s13+$0x70] =	vst v1  }
.LBB2_2:
0x47: {  	[tilespmem:s18], [sflag:$0x1] =	stream.indirect.gather [hbm4b:s3+s9], $0x1, s13, s9, $0xb8;
	[tilespmem:$0x18000] =	vst v63  }
0x48: {  	p0 =	sne.s32 s14, $0x3FC000;
	s19 =	smov.u32 s14;
	s14 =	sadd.s32 $0x4000, s14;
	v1 =	vld [tilespmem:s17+$0xFFFFFFC0]  }
0x49: {  	s18 =	smov.u32 s15;
	s13 =	smov.u32 s16;
	_ =	sdelay $0x2  }
0x4a: {  	s19 =	sadd.s32 s19, s7  }
0x4b: {  	v1 =	vadd.s32 s19, v1  }
0x4c: {  	v1 =	vadd.s32 v0, v1  }
0x4d: {  	vm0 =	vlt.s32 v1, $0x7FDFFFF  }
0x4e: {  	v1 =	vnsel vm0, $0x7FDFFFF, v1  }
0x4f: {  	[tilespmem:s16+$0x0] =	vst v1  }
0x50: {  	v1 =	vld [tilespmem:s17+$0xFFFFFFD0];
	_ =	sdelay $0x3  }
0x51: {  	s20 =	sadd.s32 $0x800, s19  }
0x52: {  	v1 =	vadd.s32 s20, v1  }
0x53: {  	v1 =	vadd.s32 v0, v1  }
0x54: {  	vm0 =	vlt.s32 v1, $0x7FDFFFF  }
0x55: {  	v1 =	vnsel vm0, $0x7FDFFFF, v1  }
0x56: {  	[tilespmem:s16+$0x10] =	vst v1  }
0x57: {  	v1 =	vld [tilespmem:s17+$0xFFFFFFE0];
	_ =	sdelay $0x3  }
0x58: {  	s20 =	sadd.s32 $0x1000, s19  }
0x59: {  	v1 =	vadd.s32 s20, v1  }
0x5a: {  	v1 =	vadd.s32 v0, v1  }
0x5b: {  	vm0 =	vlt.s32 v1, $0x7FDFFFF  }
0x5c: {  	v1 =	vnsel vm0, $0x7FDFFFF, v1  }
0x5d: {  	[tilespmem:s16+$0x20] =	vst v1  }
0x5e: {  	v1 =	vld [tilespmem:s17+$0xFFFFFFF0];
	_ =	sdelay $0x3  }
0x5f: {  	s20 =	sadd.s32 $0x1800, s19  }
0x60: {  	v1 =	vadd.s32 s20, v1  }
0x61: {  	v1 =	vadd.s32 v0, v1  }
0x62: {  	vm0 =	vlt.s32 v1, $0x7FDFFFF  }
0x63: {  	v1 =	vnsel vm0, $0x7FDFFFF, v1  }
0x64: {  	[tilespmem:s16+$0x30] =	vst v1  }
0x65: {  	v1 =	vld [tilespmem:s17+$0x0];
	_ =	sdelay $0x3  }
0x66: {  	s20 =	sadd.s32 $0x2000, s19  }
0x67: {  	v1 =	vadd.s32 s20, v1  }
0x68: {  	v1 =	vadd.s32 v0, v1  }
0x69: {  	vm0 =	vlt.s32 v1, $0x7FDFFFF  }
0x6a: {  	v1 =	vnsel vm0, $0x7FDFFFF, v1  }
0x6b: {  	[tilespmem:s16+$0x40] =	vst v1  }
0x6c: {  	v1 =	vld [tilespmem:s17+$0x10];
	_ =	sdelay $0x3  }
0x6d: {  	s20 =	sadd.s32 $0x2800, s19  }
0x6e: {  	v1 =	vadd.s32 s20, v1  }
0x6f: {  	v1 =	vadd.s32 v0, v1  }
0x70: {  	vm0 =	vlt.s32 v1, $0x7FDFFFF  }
0x71: {  	v1 =	vnsel vm0, $0x7FDFFFF, v1  }
0x72: {  	[tilespmem:s16+$0x50] =	vst v1  }
0x73: {  	v1 =	vld [tilespmem:s17+$0x20];
	_ =	sdelay $0x3  }
0x74: {  	s20 =	sadd.s32 $0x3000, s19  }
0x75: {  	v1 =	vadd.s32 s20, v1  }
0x76: {  	v1 =	vadd.s32 v0, v1  }
0x77: {  	vm0 =	vlt.s32 v1, $0x7FDFFFF  }
0x78: {  	v1 =	vnsel vm0, $0x7FDFFFF, v1  }
0x79: {  	[tilespmem:s16+$0x60] =	vst v1  }
0x7a: {  	v1 =	vld [tilespmem:s17+$0x30];
	_ =	sdelay $0x3  }
0x7b: {  	s19 =	sadd.s32 $0x3800, s19  }
.Ltmp0:
0x7c: {  	v1 =	vadd.s32 s19, v1;
	(pc) =	sbr.rel @p0 .LBB2_2-.Ltmp0, $4  }
0x7d: {  	v1 =	vadd.s32 v0, v1  }
0x7e: {  	vm0 =	vlt.s32 v1, $0x7FDFFFF  }
0x7f: {  	v1 =	vnsel vm0, $0x7FDFFFF, v1  }
0x80: {  	s15 =	sadd.s32 $0x80, s15;
	s16 =	sadd.s32 $0x80, s16;
	s17 =	sadd.s32 $0x80, s17;
	[tilespmem:s13+$0x70] =	vst v1  }
0x81: {  	[tilespmem:s18], [sflag:$0x1] =	stream.indirect.gather [hbm4b:s3+s9], $0x1, s13, s9, $0xb8;
	[tilespmem:$0x18000] =	vst v63  }
0x82: {  	_ =	swait.ge [sflag:s10], $0x80  }
0x83: {  	s13 =	simm.s32 $0xFF;
	[sflag:s10] =	ssyncset.done $0x0  }
.LBB2_4:
0x84: {  	p0 =	sne.s32 s13, $0x1;
	s13 =	sadd.s32 $0xFFFFFFFF, s13;
	[sflag:s10] =	ssyncadd.s32 $0xFFFFFF80  }
.Ltmp1:
0x85: {  	(pc) =	sbr.rel @p0 .LBB2_4-.Ltmp1, $3  }
0x86: {  	_ =	sdelay $0x1  }
0x87: {  	_ =	swait.ge [sflag:s10], $0x80  }
0x88: {  	[sflag:s10] =	ssyncset.done $0x0  }
0x89: {  	s12 =	sadd.s32 $0x1, s12  }
0x8a: {  	p0 =	sne.s32 s12, s6  }
.Ltmp2:
0x8b: {  	[sflag:s10] =	ssyncadd.s32 $0xFFFFFF80;
	(pc) =	sbr.rel @p0 .LBB2_1-.Ltmp2, $4  }
0x8c: {  	[hbm4b:s5+s2] =	stream.linear.scatter [tilespmem:s11], [sflag:$0x2], $0x8000, $0x38;
	[tilespmem:$0x18000] =	vst v63  }
0x8d: {  	_ =	swait.ge [sflag:s8], $0x8000  }
0x8e: {  	[sflag:s8] =	ssyncset.done $0x0  }
0x8f: {  	[sflag:s8] =	ssyncadd.s32 $0xFFFF8000  }
0x90: {  	_ =	sfence.sel $0x180000  }
0x91: {  	[bflag:$0x0] =	sbarrier.arrive $0xFFFF  }
0x92: {  	p0 =	sne.s32 s1, $0x0;
	_ =	strace $0x90000047  }
0x93: {  	s0 =	sadd.s32 @!p0 $0x100000, s0;
	[bflag:$0x2] =	sbarrier.arrive $0xFFFF  }
0x94: {  	[sflag:s0] =	ssyncadd.tile.s32 @!p0 $0x1;
	_ =	shalt  }
.Lfunc_end2:
_tile_overlayer_lowered:
.L_overlay_start_2:
0x95: {  	(tag) =	ssettag $0x2  }
0x96: {  	s0 =	rddreg [dreg:$0x0];
	s2 =	stileid.u32  }
0x97: {  	s1 =	rddreg [dreg:$0x1];
	p0 =	sne.s32 s2, $0x0  }
0x98: {  	s3 =	rddreg [dreg:$0x2];
	[bflag:$0x3] =	sbarrier.arrive $0xFFFF;
	s2 =	simm.s32 @!p0 $0x1C02  }
0x99: {  	[timem:s3], [sflag:s2] =	dma.local @!p0 [hbm:s0], s1  }
0x9a: {  	s0 =	simm.s32 @!p0 $0x2  }
0x9b: {  	_ =	swait.ge @!p0 [sflag:s0], s1  }
0x9c: {  	s1 =	ssub.s32 @!p0 $0x0, s1;
	[sflag:s0] =	ssyncset.done @!p0 $0x0  }
0x9d: {  	[sflag:s0] =	ssyncadd.s32 @!p0 s1  }
0x9e: {  	[bflag:$0x3] =	sbarrier.arrive $0xFFFF  }
0x9f: {  	_ =	shalt  }

</sc_bundles>
